<compile_context>
chip_gen: v7x
topology: tpu7x:2x2x1
jax: 0.10.2.dev20260603
libtpu: 0.0.44.dev20260713+nightly
codegen_flags: <defaults>
</compile_context>

<pallas_src>
import functools

import jax
import jax.numpy as jnp
from jax import lax
from jax.experimental import pallas as pl
from jax.experimental.pallas import tpu as pltpu
from jax.experimental.pallas import tpu_sc as plsc

_INPUT_DIM = 1000000
_HIDDEN = 16
_BATCH = 16384
_LENGTH = 26

_NC = 2
_NS = 16
_NW = _NC * _NS
_BPW = _BATCH // _NW
_IPW = _BPW * _LENGTH

_LBLK = 131072


def _table_body(vt_ref, vb_ref, wt_ref, b_ref, g_ref):
    vt = vt_ref[...]
    vb = vb_ref[...]
    s1 = jnp.sum(vt, axis=0) + jnp.sum(vb, axis=0)
    s2 = jnp.sum(vt * vt, axis=0) + jnp.sum(vb * vb, axis=0)
    g_ref[...] = wt_ref[0, :] + 0.5 * (s1 * s1 - s2) + b_ref[0] * (1.0 / _LENGTH)


def _build_table(w, V, b):
    grid = pl.cdiv(_INPUT_DIM, _LBLK)
    vt = V.T
    return pl.pallas_call(
        _table_body,
        grid=(grid,),
        in_specs=[
            pl.BlockSpec((_HIDDEN // 2, _LBLK), lambda i: (0, i)),
            pl.BlockSpec((_HIDDEN // 2, _LBLK), lambda i: (1, i)),
            pl.BlockSpec((1, _LBLK), lambda i: (0, i)),
            pl.BlockSpec(memory_space=pltpu.SMEM),
        ],
        out_specs=pl.BlockSpec((_LBLK,), lambda i: (i,)),
        out_shape=jax.ShapeDtypeStruct((_INPUT_DIM,), jnp.float32),
    )(vt, vt, w.T, b)


_LA = 13
_IPA = _LA * _BPW


def _sc_body(x_hbm, g_hbm, out_hbm, idx_a, idx_b, vals_a, vals_b, acc_v, out_v,
             sem_a, sem_b):
    wid = lax.axis_index("s") * _NC + lax.axis_index("c")
    base = wid * _IPW

    pltpu.sync_copy(x_hbm.at[pl.ds(base, _IPA)], idx_a)
    cp_a = pltpu.async_copy(g_hbm.at[idx_a], vals_a, sem_a)
    pltpu.sync_copy(x_hbm.at[pl.ds(base + _IPA, _IPA)], idx_b)
    cp_b = pltpu.async_copy(g_hbm.at[idx_b], vals_b, sem_b)

    cp_a.wait()

    def group_a(gidx, _):
        acc = jnp.zeros((16,), jnp.float32)
        for l in range(_LA):
            acc = acc + vals_a[pl.ds(l * _BPW + gidx * 16, 16)]
        acc_v[pl.ds(gidx * 16, 16)] = acc
        return 0

    lax.fori_loop(0, _BPW // 16, group_a, 0)
    cp_b.wait()

    def group_b(gidx, _):
        acc = acc_v[pl.ds(gidx * 16, 16)]
        for l in range(_LENGTH - _LA):
            acc = acc + vals_b[pl.ds(l * _BPW + gidx * 16, 16)]
        o = 1.0 / (1.0 + jnp.exp(-acc))
        out_v[pl.ds(gidx * 16, 16)] = o
        return 0

    lax.fori_loop(0, _BPW // 16, group_b, 0)
    pltpu.sync_copy(out_v, out_hbm.at[pl.ds(wid * _BPW, _BPW)])


@functools.cache
def _sc_gather_reduce():
    return pl.kernel(
        _sc_body,
        out_type=jax.ShapeDtypeStruct((_BATCH,), jnp.float32),
        mesh=plsc.VectorSubcoreMesh(
            core_axis_name="c", subcore_axis_name="s", num_cores=_NC, num_subcores=_NS
        ),
        scratch_types=[
            pltpu.VMEM((_IPA,), jnp.int32),
            pltpu.VMEM((_IPA,), jnp.int32),
            pltpu.VMEM((_IPA,), jnp.float32),
            pltpu.VMEM((_IPA,), jnp.float32),
            pltpu.VMEM((_BPW,), jnp.float32),
            pltpu.VMEM((_BPW,), jnp.float32),
            pltpu.SemaphoreType.DMA,
            pltpu.SemaphoreType.DMA,
        ],
    )


def kernel(x, w, V, b):
    g = _build_table(w, V, b)
    xi = x.astype(jnp.int32)
    xp = xi.reshape(_NW, _BPW, _LENGTH).transpose(0, 2, 1).reshape(-1)
    out = _sc_gather_reduce()(xp, g)
    return out.reshape(_BATCH, 1)

# --- scband reference (transcript-rebuilt; emitter-appended) ---
"""Pipeline reference for scband-fm-87067577025517 (READ-ONLY COPY).

The authoritative reference and input builder live on the scoring server;
editing this copy changes nothing except your own understanding.
"""

import jax, jax.numpy as jnp
import numpy as np

INPUT_DIM = 1000000
HIDDEN_DIM = 16
BATCH = 16384
INPUT_LENGTH = 26

def setup_inputs(seed: int = 0) -> dict:
    key = jax.random.key(seed)
    k_x, k_w, k_V = jax.random.split(key, 3)
    x = jax.random.randint(k_x, (BATCH, INPUT_LENGTH), 0, INPUT_DIM, dtype=jnp.int32)
    # keras 'uniform' init: U(-0.05, 0.05)
    w = jax.random.uniform(k_w, (INPUT_DIM, 1), minval=-0.05, maxval=0.05, dtype=jnp.float32)
    V = jax.random.uniform(k_V, (INPUT_DIM, HIDDEN_DIM), minval=-0.05, maxval=0.05, dtype=jnp.float32)
    b = jnp.zeros((1,), dtype=jnp.float32)
    return {"x": x, "w": w, "V": V, "b": b}

def reference(x, w, V, b):
    x = x.astype(jnp.int32)
    # linear term: gather w -> [B, L, 1], sum over fields -> [B, 1]
    _w = jnp.take(w, x, axis=0)
    output = jnp.sum(_w, axis=1)
    output = output + b
    # second-order term (faithful to original code: inner sums over hidden dim axis=2)
    v = jnp.take(V, x, axis=0)  # [B, L, H]
    _v = 0.5 * jnp.sum(jnp.square(jnp.sum(v, axis=2)) - jnp.sum(jnp.square(v), axis=2), axis=1)  # [B]
    output = output + _v.reshape(-1, 1)
    return jax.nn.sigmoid(output)

if __name__ == "__main__":
    import jax
    _d = setup_inputs()
    print(jax.jit(kernel)(*tuple(_d.values())))

</pallas_src>

<mosaic_0001>
#map = affine_map<(d0, d1) -> (0)>
module attributes {stable_mosaic.version = 14 : i64} {
  func.func @_sc_body(%arg0: i32, %arg1: i32, %arg2: memref<425984xi32, #tpu.memory_space<hbm>>, %arg3: memref<1000000xf32, #tpu.memory_space<hbm>>, %arg4: memref<16384xf32, #tpu.memory_space<hbm>>, %arg5: memref<6656xi32, #tpu.memory_space<vmem>>, %arg6: memref<6656xi32, #tpu.memory_space<vmem>>, %arg7: memref<6656xf32, #tpu.memory_space<vmem>>, %arg8: memref<6656xf32, #tpu.memory_space<vmem>>, %arg9: memref<512xf32, #tpu.memory_space<vmem>>, %arg10: memref<512xf32, #tpu.memory_space<vmem>>, %arg11: memref<!tpu.dma_semaphore, #tpu.memory_space<semaphore_mem>>, %arg12: memref<!tpu.dma_semaphore, #tpu.memory_space<semaphore_mem>>) attributes {dimension_semantics = [#tpu.dimension_semantics<core_parallel>, #tpu.dimension_semantics<subcore_parallel>], iteration_bounds = array<i64: 2, 16>, scalar_prefetch = 0 : i64, scratch_operands = 8 : i64, tpu.core_type = #tpu.core_type<sc_vector_subcore>, window_params = [{transform_indices = #map}, {transform_indices = #map}, {transform_indices = #map}]} {
    %mul3A = arith.constant 2 : i32
    %mul3A_0 = arith.muli %arg1, %mul3A : i32
    %add3A = arith.addi %mul3A_0, %arg0 : i32
    %mul3A_1 = arith.constant 13312 : i32
    %mul3A_2 = arith.muli %add3A, %mul3A_1 : i32
    "tpu.region"() ({
      %run_scoped3A = tpu.sem_alloc : memref<!tpu.dma_semaphore, #tpu.memory_space<semaphore_mem>>
      %dma_start3A_26 = tpu.memref_slice %arg2[%mul3A_2] : memref<425984xi32, #tpu.memory_space<hbm>> -> memref<6656xi32, #tpu.memory_space<hbm>>
      %dma_start3A_27 = tpu.memref_slice %arg2[%mul3A_2] : memref<425984xi32, #tpu.memory_space<hbm>> -> memref<6656xi32, #tpu.memory_space<hbm>>
      tpu.enqueue_dma source(%dma_start3A_27 : memref<6656xi32, #tpu.memory_space<hbm>>) target(%arg5 : memref<6656xi32, #tpu.memory_space<vmem>>) target_semaphore(%run_scoped3A : memref<!tpu.dma_semaphore, #tpu.memory_space<semaphore_mem>>)
      %dma_wait3A_28 = tpu.memref_slice %arg2[%mul3A_2] : memref<425984xi32, #tpu.memory_space<hbm>> -> memref<6656xi32, #tpu.memory_space<hbm>>
      %dma_wait3A_29 = tpu.memref_slice %arg2[%mul3A_2] : memref<425984xi32, #tpu.memory_space<hbm>> -> memref<6656xi32, #tpu.memory_space<hbm>>
      tpu.wait_dma2 semaphore(%run_scoped3A : memref<!tpu.dma_semaphore, #tpu.memory_space<semaphore_mem>>) src(%dma_wait3A_29 : memref<6656xi32, #tpu.memory_space<hbm>>) dst(%arg5 : memref<6656xi32, #tpu.memory_space<vmem>>)
      tpu.yield
    }) : () -> ()
    %dma_start3A = arith.constant 0 : i32
    %dma_start3A_3 = tpu.memref_slice %arg3[%dma_start3A] : memref<1000000xf32, #tpu.memory_space<hbm>> -> memref<1000000xf32, #tpu.memory_space<hbm>>
    tpu.enqueue_indirect_dma source(%dma_start3A_3 : memref<1000000xf32, #tpu.memory_space<hbm>>) target(%arg7 : memref<6656xf32, #tpu.memory_space<vmem>>) offsets(%arg5 : memref<6656xi32, #tpu.memory_space<vmem>>) semaphore(%arg11 : memref<!tpu.dma_semaphore, #tpu.memory_space<semaphore_mem>>)
    %add3A_4 = arith.constant 6656 : i32
    %add3A_5 = arith.addi %mul3A_2, %add3A_4 : i32
    "tpu.region"() ({
      %run_scoped3A = tpu.sem_alloc : memref<!tpu.dma_semaphore, #tpu.memory_space<semaphore_mem>>
      %dma_start3A_26 = tpu.memref_slice %arg2[%add3A_5] : memref<425984xi32, #tpu.memory_space<hbm>> -> memref<6656xi32, #tpu.memory_space<hbm>>
      %dma_start3A_27 = tpu.memref_slice %arg2[%add3A_5] : memref<425984xi32, #tpu.memory_space<hbm>> -> memref<6656xi32, #tpu.memory_space<hbm>>
      tpu.enqueue_dma source(%dma_start3A_27 : memref<6656xi32, #tpu.memory_space<hbm>>) target(%arg6 : memref<6656xi32, #tpu.memory_space<vmem>>) target_semaphore(%run_scoped3A : memref<!tpu.dma_semaphore, #tpu.memory_space<semaphore_mem>>)
      %dma_wait3A_28 = tpu.memref_slice %arg2[%add3A_5] : memref<425984xi32, #tpu.memory_space<hbm>> -> memref<6656xi32, #tpu.memory_space<hbm>>
      %dma_wait3A_29 = tpu.memref_slice %arg2[%add3A_5] : memref<425984xi32, #tpu.memory_space<hbm>> -> memref<6656xi32, #tpu.memory_space<hbm>>
      tpu.wait_dma2 semaphore(%run_scoped3A : memref<!tpu.dma_semaphore, #tpu.memory_space<semaphore_mem>>) src(%dma_wait3A_29 : memref<6656xi32, #tpu.memory_space<hbm>>) dst(%arg6 : memref<6656xi32, #tpu.memory_space<vmem>>)
      tpu.yield
    }) : () -> ()
    %dma_start3A_6 = arith.constant 0 : i32
    %dma_start3A_7 = tpu.memref_slice %arg3[%dma_start3A_6] : memref<1000000xf32, #tpu.memory_space<hbm>> -> memref<1000000xf32, #tpu.memory_space<hbm>>
    tpu.enqueue_indirect_dma source(%dma_start3A_7 : memref<1000000xf32, #tpu.memory_space<hbm>>) target(%arg8 : memref<6656xf32, #tpu.memory_space<vmem>>) offsets(%arg6 : memref<6656xi32, #tpu.memory_space<vmem>>) semaphore(%arg12 : memref<!tpu.dma_semaphore, #tpu.memory_space<semaphore_mem>>)
    %dma_wait3A = arith.constant 0 : i32
    %dma_wait3A_8 = tpu.memref_slice %arg3[%dma_wait3A] : memref<1000000xf32, #tpu.memory_space<hbm>> -> memref<1000000xf32, #tpu.memory_space<hbm>>
    tpu.wait_indirect_dma semaphore(%arg11 : memref<!tpu.dma_semaphore, #tpu.memory_space<semaphore_mem>>) src(%dma_wait3A_8 : memref<1000000xf32, #tpu.memory_space<hbm>>) dst(%arg7 : memref<6656xf32, #tpu.memory_space<vmem>>)
    %scan3A = arith.constant 0 : i32
    %scan3A_9 = arith.constant 0 : i32
    %scan3A_10 = arith.constant 32 : i32
    %scan3A_11 = arith.addi %scan3A_9, %scan3A_10 : i32
    %scan3A_12 = arith.constant 1 : i32
    %scan3A_13 = scf.for %scan3A_26 = %scan3A_9 to %scan3A_11 step %scan3A_12 iter_args(%scan3A_27 = %scan3A) -> (i32)  : i32 {
      %broadcast_in_dim3A = arith.constant 0.000000e+00 : f32
      %broadcast_in_dim3A_28 = vector.broadcast %broadcast_in_dim3A : f32 to vector<16xf32>
      %mul3A_29 = arith.constant 16 : i32
      %mul3A_30 = arith.muli %scan3A_26, %mul3A_29 : i32
      %add3A_31 = arith.constant 0 : i32
      %add3A_32 = arith.addi %add3A_31, %mul3A_30 : i32
      %get3A = arith.index_cast %add3A_32 : i32 to index
      %get3A_33 = tpu.vector_load %arg7[%get3A] {strides = array<i32>} : memref<6656xf32, #tpu.memory_space<vmem>>, vector<16xf32>,
      %get3A_34 = vector.shape_cast %get3A_33 : vector<16xf32> to vector<16xf32>
      %add3A_35 = arith.addf %broadcast_in_dim3A_28, %get3A_34 : vector<16xf32>
      %mul3A_36 = arith.constant 16 : i32
      %mul3A_37 = arith.muli %scan3A_26, %mul3A_36 : i32
      %add3A_38 = arith.constant 512 : i32
      %add3A_39 = arith.addi %add3A_38, %mul3A_37 : i32
      %get3A_40 = arith.index_cast %add3A_39 : i32 to index
      %get3A_41 = tpu.vector_load %arg7[%get3A_40] {strides = array<i32>} : memref<6656xf32, #tpu.memory_space<vmem>>, vector<16xf32>,
      %get3A_42 = vector.shape_cast %get3A_41 : vector<16xf32> to vector<16xf32>
      %add3A_43 = arith.addf %add3A_35, %get3A_42 : vector<16xf32>
      %mul3A_44 = arith.constant 16 : i32
      %mul3A_45 = arith.muli %scan3A_26, %mul3A_44 : i32
      %add3A_46 = arith.constant 1024 : i32
      %add3A_47 = arith.addi %add3A_46, %mul3A_45 : i32
      %get3A_48 = arith.index_cast %add3A_47 : i32 to index
      %get3A_49 = tpu.vector_load %arg7[%get3A_48] {strides = array<i32>} : memref<6656xf32, #tpu.memory_space<vmem>>, vector<16xf32>,
      %get3A_50 = vector.shape_cast %get3A_49 : vector<16xf32> to vector<16xf32>
      %add3A_51 = arith.addf %add3A_43, %get3A_50 : vector<16xf32>
      %mul3A_52 = arith.constant 16 : i32
      %mul3A_53 = arith.muli %scan3A_26, %mul3A_52 : i32
      %add3A_54 = arith.constant 1536 : i32
      %add3A_55 = arith.addi %add3A_54, %mul3A_53 : i32
      %get3A_56 = arith.index_cast %add3A_55 : i32 to index
      %get3A_57 = tpu.vector_load %arg7[%get3A_56] {strides = array<i32>} : memref<6656xf32, #tpu.memory_space<vmem>>, vector<16xf32>,
      %get3A_58 = vector.shape_cast %get3A_57 : vector<16xf32> to vector<16xf32>
      %add3A_59 = arith.addf %add3A_51, %get3A_58 : vector<16xf32>
      %mul3A_60 = arith.constant 16 : i32
      %mul3A_61 = arith.muli %scan3A_26, %mul3A_60 : i32
      %add3A_62 = arith.constant 2048 : i32
      %add3A_63 = arith.addi %add3A_62, %mul3A_61 : i32
      %get3A_64 = arith.index_cast %add3A_63 : i32 to index
      %get3A_65 = tpu.vector_load %arg7[%get3A_64] {strides = array<i32>} : memref<6656xf32, #tpu.memory_space<vmem>>, vector<16xf32>,
      %get3A_66 = vector.shape_cast %get3A_65 : vector<16xf32> to vector<16xf32>
      %add3A_67 = arith.addf %add3A_59, %get3A_66 : vector<16xf32>
      %mul3A_68 = arith.constant 16 : i32
      %mul3A_69 = arith.muli %scan3A_26, %mul3A_68 : i32
      %add3A_70 = arith.constant 2560 : i32
      %add3A_71 = arith.addi %add3A_70, %mul3A_69 : i32
      %get3A_72 = arith.index_cast %add3A_71 : i32 to index
      %get3A_73 = tpu.vector_load %arg7[%get3A_72] {strides = array<i32>} : memref<6656xf32, #tpu.memory_space<vmem>>, vector<16xf32>,
      %get3A_74 = vector.shape_cast %get3A_73 : vector<16xf32> to vector<16xf32>
      %add3A_75 = arith.addf %add3A_67, %get3A_74 : vector<16xf32>
      %mul3A_76 = arith.constant 16 : i32
      %mul3A_77 = arith.muli %scan3A_26, %mul3A_76 : i32
      %add3A_78 = arith.constant 3072 : i32
      %add3A_79 = arith.addi %add3A_78, %mul3A_77 : i32
      %get3A_80 = arith.index_cast %add3A_79 : i32 to index
      %get3A_81 = tpu.vector_load %arg7[%get3A_80] {strides = array<i32>} : memref<6656xf32, #tpu.memory_space<vmem>>, vector<16xf32>,
      %get3A_82 = vector.shape_cast %get3A_81 : vector<16xf32> to vector<16xf32>
      %add3A_83 = arith.addf %add3A_75, %get3A_82 : vector<16xf32>
      %mul3A_84 = arith.constant 16 : i32
      %mul3A_85 = arith.muli %scan3A_26, %mul3A_84 : i32
      %add3A_86 = arith.constant 3584 : i32
      %add3A_87 = arith.addi %add3A_86, %mul3A_85 : i32
      %get3A_88 = arith.index_cast %add3A_87 : i32 to index
      %get3A_89 = tpu.vector_load %arg7[%get3A_88] {strides = array<i32>} : memref<6656xf32, #tpu.memory_space<vmem>>, vector<16xf32>,
      %get3A_90 = vector.shape_cast %get3A_89 : vector<16xf32> to vector<16xf32>
      %add3A_91 = arith.addf %add3A_83, %get3A_90 : vector<16xf32>
      %mul3A_92 = arith.constant 16 : i32
      %mul3A_93 = arith.muli %scan3A_26, %mul3A_92 : i32
      %add3A_94 = arith.constant 4096 : i32
      %add3A_95 = arith.addi %add3A_94, %mul3A_93 : i32
      %get3A_96 = arith.index_cast %add3A_95 : i32 to index
      %get3A_97 = tpu.vector_load %arg7[%get3A_96] {strides = array<i32>} : memref<6656xf32, #tpu.memory_space<vmem>>, vector<16xf32>,
      %get3A_98 = vector.shape_cast %get3A_97 : vector<16xf32> to vector<16xf32>
      %add3A_99 = arith.addf %add3A_91, %get3A_98 : vector<16xf32>
      %mul3A_100 = arith.constant 16 : i32
      %mul3A_101 = arith.muli %scan3A_26, %mul3A_100 : i32
      %add3A_102 = arith.constant 4608 : i32
      %add3A_103 = arith.addi %add3A_102, %mul3A_101 : i32
      %get3A_104 = arith.index_cast %add3A_103 : i32 to index
      %get3A_105 = tpu.vector_load %arg7[%get3A_104] {strides = array<i32>} : memref<6656xf32, #tpu.memory_space<vmem>>, vector<16xf32>,
      %get3A_106 = vector.shape_cast %get3A_105 : vector<16xf32> to vector<16xf32>
      %add3A_107 = arith.addf %add3A_99, %get3A_106 : vector<16xf32>
      %mul3A_108 = arith.constant 16 : i32
      %mul3A_109 = arith.muli %scan3A_26, %mul3A_108 : i32
      %add3A_110 = arith.constant 5120 : i32
      %add3A_111 = arith.addi %add3A_110, %mul3A_109 : i32
      %get3A_112 = arith.index_cast %add3A_111 : i32 to index
      %get3A_113 = tpu.vector_load %arg7[%get3A_112] {strides = array<i32>} : memref<6656xf32, #tpu.memory_space<vmem>>, vector<16xf32>,
      %get3A_114 = vector.shape_cast %get3A_113 : vector<16xf32> to vector<16xf32>
      %add3A_115 = arith.addf %add3A_107, %get3A_114 : vector<16xf32>
      %mul3A_116 = arith.constant 16 : i32
      %mul3A_117 = arith.muli %scan3A_26, %mul3A_116 : i32
      %add3A_118 = arith.constant 5632 : i32
      %add3A_119 = arith.addi %add3A_118, %mul3A_117 : i32
      %get3A_120 = arith.index_cast %add3A_119 : i32 to index
      %get3A_121 = tpu.vector_load %arg7[%get3A_120] {strides = array<i32>} : memref<6656xf32, #tpu.memory_space<vmem>>, vector<16xf32>,
      %get3A_122 = vector.shape_cast %get3A_121 : vector<16xf32> to vector<16xf32>
      %add3A_123 = arith.addf %add3A_115, %get3A_122 : vector<16xf32>
      %mul3A_124 = arith.constant 16 : i32
      %mul3A_125 = arith.muli %scan3A_26, %mul3A_124 : i32
      %add3A_126 = arith.constant 6144 : i32
      %add3A_127 = arith.addi %add3A_126, %mul3A_125 : i32
      %get3A_128 = arith.index_cast %add3A_127 : i32 to index
      %get3A_129 = tpu.vector_load %arg7[%get3A_128] {strides = array<i32>} : memref<6656xf32, #tpu.memory_space<vmem>>, vector<16xf32>,
      %get3A_130 = vector.shape_cast %get3A_129 : vector<16xf32> to vector<16xf32>
      %add3A_131 = arith.addf %add3A_123, %get3A_130 : vector<16xf32>
      %mul3A_132 = arith.constant 16 : i32
      %mul3A_133 = arith.muli %scan3A_26, %mul3A_132 : i32
      %swap3A = arith.index_cast %mul3A_133 : i32 to index
      %swap3A_134 = tpu.vector_load %arg9[%swap3A] {strides = array<i32>} : memref<512xf32, #tpu.memory_space<vmem>>, vector<16xf32>,
      %swap3A_135 = vector.shape_cast %swap3A_134 : vector<16xf32> to vector<16xf32>
      %swap3A_136 = vector.shape_cast %add3A_131 : vector<16xf32> to vector<16xf32>
      tpu.vector_store %arg9[%swap3A], %swap3A_136 {strides = array<i32>} : memref<512xf32, #tpu.memory_space<vmem>>, vector<16xf32>,
      %scan3A_137 = arith.constant 0 : i32
      scf.yield %scan3A_137 : i32
    }
    %scan3A_14 = arith.constant 32 : i32
    %dma_wait3A_15 = arith.constant 0 : i32
    %dma_wait3A_16 = tpu.memref_slice %arg3[%dma_wait3A_15] : memref<1000000xf32, #tpu.memory_space<hbm>> -> memref<1000000xf32, #tpu.memory_space<hbm>>
    tpu.wait_indirect_dma semaphore(%arg12 : memref<!tpu.dma_semaphore, #tpu.memory_space<semaphore_mem>>) src(%dma_wait3A_16 : memref<1000000xf32, #tpu.memory_space<hbm>>) dst(%arg8 : memref<6656xf32, #tpu.memory_space<vmem>>)
    %scan3A_17 = arith.constant 0 : i32
    %scan3A_18 = arith.constant 0 : i32
    %scan3A_19 = arith.constant 32 : i32
    %scan3A_20 = arith.addi %scan3A_18, %scan3A_19 : i32
    %scan3A_21 = arith.constant 1 : i32
    %scan3A_22 = scf.for %scan3A_26 = %scan3A_18 to %scan3A_20 step %scan3A_21 iter_args(%scan3A_27 = %scan3A_17) -> (i32)  : i32 {
      %mul3A_28 = arith.constant 16 : i32
      %mul3A_29 = arith.muli %scan3A_26, %mul3A_28 : i32
      %get3A = arith.index_cast %mul3A_29 : i32 to index
      %get3A_30 = tpu.vector_load %arg9[%get3A] {strides = array<i32>} : memref<512xf32, #tpu.memory_space<vmem>>, vector<16xf32>,
      %get3A_31 = vector.shape_cast %get3A_30 : vector<16xf32> to vector<16xf32>
      %mul3A_32 = arith.constant 16 : i32
      %mul3A_33 = arith.muli %scan3A_26, %mul3A_32 : i32
      %add3A_34 = arith.constant 0 : i32
      %add3A_35 = arith.addi %add3A_34, %mul3A_33 : i32
      %get3A_36 = arith.index_cast %add3A_35 : i32 to index
      %get3A_37 = tpu.vector_load %arg8[%get3A_36] {strides = array<i32>} : memref<6656xf32, #tpu.memory_space<vmem>>, vector<16xf32>,
      %get3A_38 = vector.shape_cast %get3A_37 : vector<16xf32> to vector<16xf32>
      %add3A_39 = arith.addf %get3A_31, %get3A_38 : vector<16xf32>
      %mul3A_40 = arith.constant 16 : i32
      %mul3A_41 = arith.muli %scan3A_26, %mul3A_40 : i32
      %add3A_42 = arith.constant 512 : i32
      %add3A_43 = arith.addi %add3A_42, %mul3A_41 : i32
      %get3A_44 = arith.index_cast %add3A_43 : i32 to index
      %get3A_45 = tpu.vector_load %arg8[%get3A_44] {strides = array<i32>} : memref<6656xf32, #tpu.memory_space<vmem>>, vector<16xf32>,
      %get3A_46 = vector.shape_cast %get3A_45 : vector<16xf32> to vector<16xf32>
      %add3A_47 = arith.addf %add3A_39, %get3A_46 : vector<16xf32>
      %mul3A_48 = arith.constant 16 : i32
      %mul3A_49 = arith.muli %scan3A_26, %mul3A_48 : i32
      %add3A_50 = arith.constant 1024 : i32
      %add3A_51 = arith.addi %add3A_50, %mul3A_49 : i32
      %get3A_52 = arith.index_cast %add3A_51 : i32 to index
      %get3A_53 = tpu.vector_load %arg8[%get3A_52] {strides = array<i32>} : memref<6656xf32, #tpu.memory_space<vmem>>, vector<16xf32>,
      %get3A_54 = vector.shape_cast %get3A_53 : vector<16xf32> to vector<16xf32>
      %add3A_55 = arith.addf %add3A_47, %get3A_54 : vector<16xf32>
      %mul3A_56 = arith.constant 16 : i32
      %mul3A_57 = arith.muli %scan3A_26, %mul3A_56 : i32
      %add3A_58 = arith.constant 1536 : i32
      %add3A_59 = arith.addi %add3A_58, %mul3A_57 : i32
      %get3A_60 = arith.index_cast %add3A_59 : i32 to index
      %get3A_61 = tpu.vector_load %arg8[%get3A_60] {strides = array<i32>} : memref<6656xf32, #tpu.memory_space<vmem>>, vector<16xf32>,
      %get3A_62 = vector.shape_cast %get3A_61 : vector<16xf32> to vector<16xf32>
      %add3A_63 = arith.addf %add3A_55, %get3A_62 : vector<16xf32>
      %mul3A_64 = arith.constant 16 : i32
      %mul3A_65 = arith.muli %scan3A_26, %mul3A_64 : i32
      %add3A_66 = arith.constant 2048 : i32
      %add3A_67 = arith.addi %add3A_66, %mul3A_65 : i32
      %get3A_68 = arith.index_cast %add3A_67 : i32 to index
      %get3A_69 = tpu.vector_load %arg8[%get3A_68] {strides = array<i32>} : memref<6656xf32, #tpu.memory_space<vmem>>, vector<16xf32>,
      %get3A_70 = vector.shape_cast %get3A_69 : vector<16xf32> to vector<16xf32>
      %add3A_71 = arith.addf %add3A_63, %get3A_70 : vector<16xf32>
      %mul3A_72 = arith.constant 16 : i32
      %mul3A_73 = arith.muli %scan3A_26, %mul3A_72 : i32
      %add3A_74 = arith.constant 2560 : i32
      %add3A_75 = arith.addi %add3A_74, %mul3A_73 : i32
      %get3A_76 = arith.index_cast %add3A_75 : i32 to index
      %get3A_77 = tpu.vector_load %arg8[%get3A_76] {strides = array<i32>} : memref<6656xf32, #tpu.memory_space<vmem>>, vector<16xf32>,
      %get3A_78 = vector.shape_cast %get3A_77 : vector<16xf32> to vector<16xf32>
      %add3A_79 = arith.addf %add3A_71, %get3A_78 : vector<16xf32>
      %mul3A_80 = arith.constant 16 : i32
      %mul3A_81 = arith.muli %scan3A_26, %mul3A_80 : i32
      %add3A_82 = arith.constant 3072 : i32
      %add3A_83 = arith.addi %add3A_82, %mul3A_81 : i32
      %get3A_84 = arith.index_cast %add3A_83 : i32 to index
      %get3A_85 = tpu.vector_load %arg8[%get3A_84] {strides = array<i32>} : memref<6656xf32, #tpu.memory_space<vmem>>, vector<16xf32>,
      %get3A_86 = vector.shape_cast %get3A_85 : vector<16xf32> to vector<16xf32>
      %add3A_87 = arith.addf %add3A_79, %get3A_86 : vector<16xf32>
      %mul3A_88 = arith.constant 16 : i32
      %mul3A_89 = arith.muli %scan3A_26, %mul3A_88 : i32
      %add3A_90 = arith.constant 3584 : i32
      %add3A_91 = arith.addi %add3A_90, %mul3A_89 : i32
      %get3A_92 = arith.index_cast %add3A_91 : i32 to index
      %get3A_93 = tpu.vector_load %arg8[%get3A_92] {strides = array<i32>} : memref<6656xf32, #tpu.memory_space<vmem>>, vector<16xf32>,
      %get3A_94 = vector.shape_cast %get3A_93 : vector<16xf32> to vector<16xf32>
      %add3A_95 = arith.addf %add3A_87, %get3A_94 : vector<16xf32>
      %mul3A_96 = arith.constant 16 : i32
      %mul3A_97 = arith.muli %scan3A_26, %mul3A_96 : i32
      %add3A_98 = arith.constant 4096 : i32
      %add3A_99 = arith.addi %add3A_98, %mul3A_97 : i32
      %get3A_100 = arith.index_cast %add3A_99 : i32 to index
      %get3A_101 = tpu.vector_load %arg8[%get3A_100] {strides = array<i32>} : memref<6656xf32, #tpu.memory_space<vmem>>, vector<16xf32>,
      %get3A_102 = vector.shape_cast %get3A_101 : vector<16xf32> to vector<16xf32>
      %add3A_103 = arith.addf %add3A_95, %get3A_102 : vector<16xf32>
      %mul3A_104 = arith.constant 16 : i32
      %mul3A_105 = arith.muli %scan3A_26, %mul3A_104 : i32
      %add3A_106 = arith.constant 4608 : i32
      %add3A_107 = arith.addi %add3A_106, %mul3A_105 : i32
      %get3A_108 = arith.index_cast %add3A_107 : i32 to index
      %get3A_109 = tpu.vector_load %arg8[%get3A_108] {strides = array<i32>} : memref<6656xf32, #tpu.memory_space<vmem>>, vector<16xf32>,
      %get3A_110 = vector.shape_cast %get3A_109 : vector<16xf32> to vector<16xf32>
      %add3A_111 = arith.addf %add3A_103, %get3A_110 : vector<16xf32>
      %mul3A_112 = arith.constant 16 : i32
      %mul3A_113 = arith.muli %scan3A_26, %mul3A_112 : i32
      %add3A_114 = arith.constant 5120 : i32
      %add3A_115 = arith.addi %add3A_114, %mul3A_113 : i32
      %get3A_116 = arith.index_cast %add3A_115 : i32 to index
      %get3A_117 = tpu.vector_load %arg8[%get3A_116] {strides = array<i32>} : memref<6656xf32, #tpu.memory_space<vmem>>, vector<16xf32>,
      %get3A_118 = vector.shape_cast %get3A_117 : vector<16xf32> to vector<16xf32>
      %add3A_119 = arith.addf %add3A_111, %get3A_118 : vector<16xf32>
      %mul3A_120 = arith.constant 16 : i32
      %mul3A_121 = arith.muli %scan3A_26, %mul3A_120 : i32
      %add3A_122 = arith.constant 5632 : i32
      %add3A_123 = arith.addi %add3A_122, %mul3A_121 : i32
      %get3A_124 = arith.index_cast %add3A_123 : i32 to index
      %get3A_125 = tpu.vector_load %arg8[%get3A_124] {strides = array<i32>} : memref<6656xf32, #tpu.memory_space<vmem>>, vector<16xf32>,
      %get3A_126 = vector.shape_cast %get3A_125 : vector<16xf32> to vector<16xf32>
      %add3A_127 = arith.addf %add3A_119, %get3A_126 : vector<16xf32>
      %mul3A_128 = arith.constant 16 : i32
      %mul3A_129 = arith.muli %scan3A_26, %mul3A_128 : i32
      %add3A_130 = arith.constant 6144 : i32
      %add3A_131 = arith.addi %add3A_130, %mul3A_129 : i32
      %get3A_132 = arith.index_cast %add3A_131 : i32 to index
      %get3A_133 = tpu.vector_load %arg8[%get3A_132] {strides = array<i32>} : memref<6656xf32, #tpu.memory_space<vmem>>, vector<16xf32>,
      %get3A_134 = vector.shape_cast %get3A_133 : vector<16xf32> to vector<16xf32>
      %add3A_135 = arith.addf %add3A_127, %get3A_134 : vector<16xf32>
      %neg3A = arith.constant 0.000000e+00 : f32
      %neg3A_136 = vector.broadcast %neg3A : f32 to vector<16xf32>
      %neg3A_137 = arith.subf %neg3A_136, %add3A_135 : vector<16xf32>
      %exp3A = math.exp %neg3A_137 : vector<16xf32>
      %add3A_138 = arith.constant 1.000000e+00 : f32
      %add3A_139 = vector.broadcast %add3A_138 : f32 to vector<16xf32>
      %add3A_140 = arith.addf %add3A_139, %exp3A : vector<16xf32>
      %div3A = arith.constant 1.000000e+00 : f32
      %div3A_141 = vector.broadcast %div3A : f32 to vector<16xf32>
      %div3A_142 = arith.divf %div3A_141, %add3A_140 : vector<16xf32>
      %mul3A_143 = arith.constant 16 : i32
      %mul3A_144 = arith.muli %scan3A_26, %mul3A_143 : i32
      %swap3A = arith.index_cast %mul3A_144 : i32 to index
      %swap3A_145 = tpu.vector_load %arg10[%swap3A] {strides = array<i32>} : memref<512xf32, #tpu.memory_space<vmem>>, vector<16xf32>,
      %swap3A_146 = vector.shape_cast %swap3A_145 : vector<16xf32> to vector<16xf32>
      %swap3A_147 = vector.shape_cast %div3A_142 : vector<16xf32> to vector<16xf32>
      tpu.vector_store %arg10[%swap3A], %swap3A_147 {strides = array<i32>} : memref<512xf32, #tpu.memory_space<vmem>>, vector<16xf32>,
      %scan3A_148 = arith.constant 0 : i32
      scf.yield %scan3A_148 : i32
    }
    %scan3A_23 = arith.constant 32 : i32
    %mul3A_24 = arith.constant 512 : i32
    %mul3A_25 = arith.muli %add3A, %mul3A_24 : i32
    "tpu.region"() ({
      %run_scoped3A = tpu.sem_alloc : memref<!tpu.dma_semaphore, #tpu.memory_space<semaphore_mem>>
      %dma_start3A_26 = tpu.memref_slice %arg4[%mul3A_25] : memref<16384xf32, #tpu.memory_space<hbm>> -> memref<512xf32, #tpu.memory_space<hbm>>
      %dma_start3A_27 = tpu.memref_slice %arg4[%mul3A_25] : memref<16384xf32, #tpu.memory_space<hbm>> -> memref<512xf32, #tpu.memory_space<hbm>>
      tpu.enqueue_dma source(%arg10 : memref<512xf32, #tpu.memory_space<vmem>>) target(%dma_start3A_27 : memref<512xf32, #tpu.memory_space<hbm>>) target_semaphore(%run_scoped3A : memref<!tpu.dma_semaphore, #tpu.memory_space<semaphore_mem>>)
      %dma_wait3A_28 = tpu.memref_slice %arg4[%mul3A_25] : memref<16384xf32, #tpu.memory_space<hbm>> -> memref<512xf32, #tpu.memory_space<hbm>>
      %dma_wait3A_29 = tpu.memref_slice %arg4[%mul3A_25] : memref<16384xf32, #tpu.memory_space<hbm>> -> memref<512xf32, #tpu.memory_space<hbm>>
      tpu.wait_dma2 semaphore(%run_scoped3A : memref<!tpu.dma_semaphore, #tpu.memory_space<semaphore_mem>>) src(%arg10 : memref<512xf32, #tpu.memory_space<vmem>>) dst(%dma_wait3A_29 : memref<512xf32, #tpu.memory_space<hbm>>)
      tpu.yield
    }) : () -> ()
    return
  }
}

module attributes {stable_mosaic.version = 14 : i64} {
  func.func @_table_body(%arg0: i32, %arg1: memref<8x131072xf32, #tpu.memory_space<vmem>>, %arg2: memref<8x131072xf32, #tpu.memory_space<vmem>>, %arg3: memref<1x131072xf32, #tpu.memory_space<vmem>>, %arg4: memref<1xf32, #tpu.memory_space<smem>>, %arg5: memref<131072xf32, #tpu.memory_space<vmem>>) attributes {dimension_semantics = [#tpu.dimension_semantics<arbitrary>], iteration_bounds = array<i64: 8>, scalar_prefetch = 0 : i64, scratch_operands = 0 : i64, tpu.core_type = #tpu.core_type<tc>, window_params = [{transform_indices = @transform_0, window_bounds = array<i64: 8, 131072>}, {transform_indices = @transform_1, window_bounds = array<i64: 8, 131072>}, {transform_indices = @transform_2, window_bounds = array<i64: 1, 131072>}, {transform_indices = @transform_3, window_bounds = array<i64: 1>}, {transform_indices = @transform_4, window_bounds = array<i64: 131072>}]} {
    %get3A = arith.constant 0 : index
    %get3A_0 = arith.constant 0 : index
    %get3A_1 = vector.load %arg1[%get3A, %get3A_0] : memref<8x131072xf32, #tpu.memory_space<vmem>>, vector<8x131072xf32>
    %get3A_2 = arith.constant 0 : index
    %get3A_3 = arith.constant 0 : index
    %get3A_4 = vector.load %arg2[%get3A_2, %get3A_3] : memref<8x131072xf32, #tpu.memory_space<vmem>>, vector<8x131072xf32>
    %reduce_sum3A = arith.constant dense<0.000000e+00> : vector<131072xf32>
    %reduce_sum3A_5 = vector.multi_reduction <add>, %get3A_1, %reduce_sum3A [0] : vector<8x131072xf32> to vector<131072xf32>
    %reduce_sum3A_6 = arith.constant dense<0.000000e+00> : vector<131072xf32>
    %reduce_sum3A_7 = vector.multi_reduction <add>, %get3A_4, %reduce_sum3A_6 [0] : vector<8x131072xf32> to vector<131072xf32>
    %add3A = arith.addf %reduce_sum3A_5, %reduce_sum3A_7 : vector<131072xf32>
    %mul3A = arith.mulf %get3A_1, %get3A_1 : vector<8x131072xf32>
    %reduce_sum3A_8 = arith.constant dense<0.000000e+00> : vector<131072xf32>
    %reduce_sum3A_9 = vector.multi_reduction <add>, %mul3A, %reduce_sum3A_8 [0] : vector<8x131072xf32> to vector<131072xf32>
    %mul3A_10 = arith.mulf %get3A_4, %get3A_4 : vector<8x131072xf32>
    %reduce_sum3A_11 = arith.constant dense<0.000000e+00> : vector<131072xf32>
    %reduce_sum3A_12 = vector.multi_reduction <add>, %mul3A_10, %reduce_sum3A_11 [0] : vector<8x131072xf32> to vector<131072xf32>
    %add3A_13 = arith.addf %reduce_sum3A_9, %reduce_sum3A_12 : vector<131072xf32>
    %get3A_14 = arith.constant 0 : index
    %get3A_15 = arith.constant 0 : index
    %get3A_16 = vector.load %arg3[%get3A_14, %get3A_15] : memref<1x131072xf32, #tpu.memory_space<vmem>>, vector<1x131072xf32>
    %get3A_17 = vector.shape_cast %get3A_16 : vector<1x131072xf32> to vector<131072xf32>
    %mul3A_18 = arith.mulf %add3A, %add3A : vector<131072xf32>
    %sub3A = arith.subf %mul3A_18, %add3A_13 : vector<131072xf32>
    %mul3A_19 = arith.constant 5.000000e-01 : f32
    %mul3A_20 = vector.broadcast %mul3A_19 : f32 to vector<131072xf32>
    %mul3A_21 = arith.mulf %mul3A_20, %sub3A : vector<131072xf32>
    %add3A_22 = arith.addf %get3A_17, %mul3A_21 : vector<131072xf32>
    %get3A_23 = arith.constant 0 : index
    %get3A_24 = memref.load %arg4[%get3A_23] : memref<1xf32, #tpu.memory_space<smem>>
    %mul3A_25 = arith.constant 0.0384615399 : f32
    %mul3A_26 = arith.mulf %get3A_24, %mul3A_25 : f32
    %add3A_27 = vector.broadcast %mul3A_26 : f32 to vector<131072xf32>
    %add3A_28 = arith.addf %add3A_22, %add3A_27 : vector<131072xf32>
    %swap3A = arith.constant 0 : index
    %swap3A_29 = vector.load %arg5[%swap3A] : memref<131072xf32, #tpu.memory_space<vmem>>, vector<131072xf32>
    tpu.vector_store %arg5[%swap3A], %add3A_28 {strides = array<i32>} : memref<131072xf32, #tpu.memory_space<vmem>>, vector<131072xf32>,
    return
  }
  func.func @transform_0(%arg0: i32) -> (i32, i32) {
    %c0_i32 = arith.constant 0 : i32
    %c0_i32_0 = arith.constant 0 : i32
    return %c0_i32, %arg0 : i32, i32
  }
  func.func @transform_1(%arg0: i32) -> (i32, i32) {
    %c1_i32 = arith.constant 1 : i32
    %c0_i32 = arith.constant 0 : i32
    return %c1_i32, %arg0 : i32, i32
  }
  func.func @transform_2(%arg0: i32) -> (i32, i32) {
    %c0_i32 = arith.constant 0 : i32
    %c0_i32_0 = arith.constant 0 : i32
    return %c0_i32, %arg0 : i32, i32
  }
  func.func @transform_3(%arg0: i32) -> i32 {
    %c0_i32 = arith.constant 0 : i32
    %c0_i32_0 = arith.constant 0 : i32
    return %c0_i32 : i32
  }
  func.func @transform_4(%arg0: i32) -> i32 {
    %c0_i32 = arith.constant 0 : i32
    return %arg0 : i32
  }
}

</mosaic_0001>

<sc_bundles>
// kernel: kernel.4.cloned.1.call-start
scs
__scs_entry_jumppad:
0x0: {  	(pc) =	sbr.rel $0x88, $3  }
0x1: {  	(tag) =	ssettag $0x0;
	lr =	simm.s32 $0x1  }
0x2: {  	[smem:$0x3F9D] =	sst lr;
	_ =	strace $0xD0000000  }
0x3: {  	_ = 	snop  }
0x4: {  	_ = 	snop  }
0x5: {  	_ = 	snop  }
0x6: {  	_ = 	snop  }
0x7: {  	_ = 	snop  }
__scs_overlays_trampoline_lowered:
0x8: {  	[smem:$0x3FAC] =	sst s0  }
0x9: {  	[smem:$0x3FAD] =	sst s1  }
0xa: {  	[smem:$0x3FAE] =	sst s2  }
0xb: {  	[smem:$0x3FAF] =	sst s3  }
0xc: {  	[smem:$0x3FB0] =	sst s4  }
0xd: {  	[smem:$0x3FB1] =	sst s5  }
0xe: {  	[smem:$0x3FB2] =	sst s6  }
0xf: {  	[smem:$0x3FB3] =	sst s7  }
0x10: {  	[smem:$0x3FB4] =	sst s8  }
0x11: {  	[smem:$0x3FB5] =	sst s9;
	s0 =	simm.s32 @!p0 $0x0  }
0x12: {  	s1 =	sld [smem:$0x3F9B];
	s0 =	simm.s32 @p0 $0x1  }
0x13: {  	[smem:$0x3FB6] =	sst s0;
	s0 =	simm.s32 @!p1 $0x0  }
0x14: {  	s2 =	sld [smem:$0x3F9A];
	s0 =	simm.s32 @p1 $0x1  }
0x15: {  	[smem:$0x3FB7] =	sst s0;
	s0 =	simm.s32 @!p2 $0x0  }
0x16: {  	s3 =	sld [smem:$0x3FDB];
	s0 =	simm.s32 @p2 $0x1  }
0x17: {  	s4 =	simm.s32 $0x1BF5;
	[smem:$0x3FB9] =	sst s0  }
0x18: {  	s0 =	sld [smem:$0x3F9C];
	_ =	swait.ge [sflag:s4], $0x0  }
0x19: {  	s7 =	sld [smem:$0x3F9D]  }
0x1a: {  	s8 =	sadd.s32 $0xFFFFE003, lr  }
0x1b: {  	s9 =	sadd.s32 $0xFFFFFEF7, lr;
	s5 =	simm.s32 $0xFFFFFFFF;
	p2 =	slt.u32 s8, $0xFFFFF086  }
0x1c: {  	p1 =	slt.u32 s9, $0xF7A;
	s5 =	simm.s32 @!p2 $0x0  }
0x1d: {  	s5 =	simm.s32 @p1 $0x1;
	p0 =	seq.s32 s7, s2  }
0x1e: {  	s7 =	smul.u32 @!p0 $0xF7A, s2;
	p2 =	seq.s32 @!p0 s5, $0x0  }
0x1f: {  	s9 =	smul.u32 $0xF7A, s1;
	s8 =	simm.s32 @!p0 $0x1BF5;
	p2 =	por !p2, p0  }
0x20: {  	[sflag:s8] =	ssyncset.s32 @!p0 $0xFFFFF086;
	s6 =	sadd.s32 @!p0 s3, s7;
	s7 =	simm.s32 @!p0 $0x108  }
0x21: {  	s3 =	sadd.s32 s3, s9;
	s6 =	sadd.s32 @!p0 $0x88, s6;
	s7 =	simm.s32 @p2 $0x1082  }
0x22: {  	[simem:s7], [sflag:s8] =	dma.local @!p0 [hbm:s6], $0xF7A  }
0x23: {  	s9 =	sor.u32 $0xD0000000, s2;
	s6 =	simm.s32 $0x108;
	_ =	swait.ge @!p0 [sflag:s8], $0x0  }
0x24: {  	s3 =	sadd.s32 $0x88, s3;
	s6 =	simm.s32 @!p1 $0x1082;
	[sflag:s4] =	ssyncset.s32 $0xFFFFF086  }
0x25: {  	[simem:s6], [sflag:s4] =	dma.local [hbm:s3], $0xF7A  }
0x26: {  	[smem:$0x3F9D] =	sst s1;
	(tag) =	ssettag s2;
	_ =	strace s9  }
0x27: {  	s1 =	sld [smem:$0x3FAD]  }
0x28: {  	s2 =	sld [smem:$0x3FAE]  }
0x29: {  	s4 =	sld [smem:$0x3FB0]  }
0x2a: {  	p0 =	seq.s32 s5, $0x0;
	s5 =	sld [smem:$0x3FB1]  }
0x2b: {  	s6 =	sld [smem:$0x3FB2]  }
0x2c: {  	s7 =	sld [smem:$0x3FB3]  }
0x2d: {  	s3 =	simm.s32 $0x108;
	s8 =	sld [smem:$0x3FB4]  }
0x2e: {  	s3 =	simm.s32 @!p0 $0x1082;
	s9 =	sld [smem:$0x3FB5]  }
0x2f: {  	lr =	sadd.s32 s0, s3;
	s0 =	sld [smem:$0x3FAC]  }
0x30: {  	s3 =	sld [smem:$0x3FAF]  }
0x31: {  	[smem:$0x3FB8] =	sst s10  }
0x32: {  	s10 =	sld [smem:$0x3FB6];
	_ =	sdelay $0x3  }
0x33: {  	p0 =	seq.s32 s10, $0x1;
	s10 =	sld [smem:$0x3FB8];
	_ =	sdelay $0x3  }
0x34: {  	[smem:$0x3FB8] =	sst s10  }
0x35: {  	s10 =	sld [smem:$0x3FB7];
	_ =	sdelay $0x3  }
0x36: {  	p1 =	seq.s32 s10, $0x1;
	s10 =	sld [smem:$0x3FB8];
	_ =	sdelay $0x3  }
0x37: {  	[smem:$0x3FB8] =	sst s10  }
0x38: {  	s10 =	sld [smem:$0x3FB9]  }
0x39: {  	_ = 	snop;
	(pc) =	sbr.ind lr, $3  }
0x3a: {  	_ = 	snop  }
0x3b: {  	_ = 	snop  }
0x3c: {  	p2 =	seq.s32 s10, $0x1;
	s10 =	sld [smem:$0x3FB8]  }
0x3d: {  	_ =	shalt  }
0x3e: {  	_ =	shalt  }
0x3f: {  	_ =	shalt  }
0x40: {  	_ =	shalt  }
0x41: {  	_ =	shalt  }
0x42: {  	_ =	shalt  }
0x43: {  	_ =	shalt  }
0x44: {  	_ =	shalt  }
0x45: {  	_ =	shalt  }
0x46: {  	_ =	shalt  }
0x47: {  	_ =	shalt  }
0x48: {  	_ =	shalt  }
0x49: {  	_ =	shalt  }
0x4a: {  	_ =	shalt  }
0x4b: {  	_ =	shalt  }
0x4c: {  	_ =	shalt  }
0x4d: {  	_ =	shalt  }
0x4e: {  	_ =	shalt  }
0x4f: {  	_ =	shalt  }
0x50: {  	_ =	shalt  }
0x51: {  	_ =	shalt  }
0x52: {  	_ =	shalt  }
0x53: {  	_ =	shalt  }
0x54: {  	_ =	shalt  }
0x55: {  	_ =	shalt  }
0x56: {  	_ =	shalt  }
0x57: {  	_ =	shalt  }
0x58: {  	_ =	shalt  }
0x59: {  	_ =	shalt  }
0x5a: {  	_ =	shalt  }
0x5b: {  	_ =	shalt  }
0x5c: {  	_ =	shalt  }
0x5d: {  	_ =	shalt  }
0x5e: {  	_ =	shalt  }
0x5f: {  	_ =	shalt  }
0x60: {  	_ =	shalt  }
0x61: {  	_ =	shalt  }
0x62: {  	_ =	shalt  }
0x63: {  	_ =	shalt  }
0x64: {  	_ =	shalt  }
0x65: {  	_ =	shalt  }
0x66: {  	_ =	shalt  }
0x67: {  	_ =	shalt  }
0x68: {  	_ =	shalt  }
0x69: {  	_ =	shalt  }
0x6a: {  	_ =	shalt  }
0x6b: {  	_ =	shalt  }
0x6c: {  	_ =	shalt  }
0x6d: {  	_ =	shalt  }
0x6e: {  	_ =	shalt  }
0x6f: {  	_ =	shalt  }
0x70: {  	_ =	shalt  }
0x71: {  	_ =	shalt  }
0x72: {  	_ =	shalt  }
0x73: {  	_ =	shalt  }
0x74: {  	_ =	shalt  }
0x75: {  	_ =	shalt  }
0x76: {  	_ =	shalt  }
0x77: {  	_ =	shalt  }
0x78: {  	_ =	shalt  }
0x79: {  	_ =	shalt  }
0x7a: {  	_ =	shalt  }
0x7b: {  	_ =	shalt  }
0x7c: {  	_ =	shalt  }
0x7d: {  	_ =	shalt  }
0x7e: {  	_ =	shalt  }
0x7f: {  	_ =	shalt  }
0x80: {  	_ =	shalt  }
0x81: {  	_ =	shalt  }
0x82: {  	_ =	shalt  }
0x83: {  	_ =	shalt  }
0x84: {  	_ =	shalt  }
0x85: {  	_ =	shalt  }
0x86: {  	_ =	shalt  }
0x87: {  	_ =	shalt  }
.Lfunc_end0:
.L_simem_size_0:
called_computation_lowered:
.L_overlay_start_0:
0x88: {  	s2 =	sld [smem:$0x3FD9]  }
0x89: {  	s3 =	sld [smem:$0x3FFE];
	_ =	sdelay $0x1  }
0x8a: {  	s1 =	srdreg.scid  }
0x8b: {  	s0 =	sand.u32 $0x1, s1  }
0x8c: {  	s17 =	sshll.u32 s0, $0xA;
	s2 =	sadd.s32 s3, s2  }
0x8d: {  	s2 =	sadd.s32 s2, s17  }
0x8e: {  	[smem:$0x3FC4] =	sst s2  }
0x8f: {  	_ = 	snop  }
0x90: {  	s2 =	sld [smem:$0x3FD0];
	(tm) =	ssettm $0x1  }
0x91: {  	s18 =	sld [smem:$0x3FFB];
	_ =	sdelay $0x3  }
0x92: {  	_ =	strace s18  }
0x93: {  	s3 =	sld [smem:$0x3FFC];
	_ =	sdelay $0x3  }
0x94: {  	_ =	strace s3  }
0x95: {  	s3 =	sld [smem:$0x3FFD];
	_ =	sdelay $0x3  }
0x96: {  	_ =	strace s3  }
0x97: {  	_ =	strace $0x8FFFFFFF  }
0x98: {  	s19 =	sld [smem:$0x3FDB];
	_ =	sdelay $0x1  }
0x99: {  	s4 =	simm.s32 $_scs_section_size  }
0x9a: {  	s5 =	simm.s32 $_size__tile_overlayer_lowered;
	s6 =	simm.s32 $_tile_overlayer_lowered  }
0x9b: {  	s22 =	simm.s32 $0x1BFF;
	s21 =	sshll.u32 s6, $0x1;
	s3 =	sadd.s32 s4, s19  }
0x9c: {  	s7 =	simm.s32 $0x0;
	s20 =	sshll.u32 s5, $0x1;
	s5 =	sadd.s32 s21, s3  }
0x9d: {  	[timem:s7], [sflag:s22] =	dma.local [hbm:s5], s20  }
0x9e: {  	_ =	swait.ge [sflag:s22], s20  }
0x9f: {  	s4 =	ssub.s32 $0x0, s20;
	[sflag:s22] =	ssyncset.done $0x0  }
0xa0: {  	[sflag:s22] =	ssyncadd.s32 s4;
	_ =	sdelay $0x1  }
0xa1: {  	s23 =	simm.s32 $0x1B8B  }
0xa2: {  	_ =	swait.ge [sflag:s23], $0x1  }
0xa3: {  	[sflag:s23] =	ssyncset.done $0x0  }
0xa4: {  	s25 =	simm.s32 $0x1B8E;
	s24 =	sld [smem:$0x3FFE];
	[sflag:s23] =	ssyncadd.s32 $0xFFFFFFFF  }
0xa5: {  	s26 =	simm.s32 $execute0_lowered;
	[smem:$0x3FD2] =	sst s25  }
0xa6: {  	s5 =	sshll.u32 s26, $0x1;
	_ =	strace $0x80000046;
	[dreg:$0x1] =	wrdreg $0xFFFFFFFF  }
0xa7: {  	s28 =	simm.s32 $_size_execute0_lowered;
	s3 =	sadd.s32 s3, s5;
	[dreg:$0x0] =	wrdreg $0x0  }
0xa8: {  	s5 =	sshll.u32 s28, $0x1;
	[dreg:$0x2] =	wrdreg s3  }
0xa9: {  	[dreg:$0x3] =	wrdreg s5  }
0xaa: {  	[dreg:$0x4] =	wrdreg $0xC0  }
0xab: {  	_ =	task [dreg:s7], $0x5FFFF  }
0xac: {  	[dreg:$0x1] =	wrdreg $0xFFFFFFFF  }
0xad: {  	[dreg:$0x0] =	wrdreg $0x60  }
0xae: {  	[dreg:$0x2] =	wrdreg s24  }
0xaf: {  	[dreg:$0x3] =	wrdreg s2  }
0xb0: {  	[dreg:$0x4] =	wrdreg $0x9  }
0xb1: {  	_ =	task.clear_ibuf [dreg:s7], $0x5FFFF;
	_ =	strace $0x90000046  }
0xb2: {  	s29 =	simm.s32 $0x9;
	_ =	strace $0x80000048  }
0xb3: {  	_ =	swait.ge [sflag:s29], $0x1  }
0xb4: {  	[sflag:s29] =	ssyncadd.s32 $0xFFFFFFFF  }
0xb5: {  	_ =	strace $0x90000048  }
0xb6: {  	_ =	sfence  }
0xb7: {  	s30 =	sld [smem:$0x0];
	_ =	sdelay $0x2  }
0xb8: {  	s31 =	sshll.u32 s1, $0xD;
	s1 =	sshrl.u32 s1, $0x2  }
0xb9: {  	s3 =	sand.u32 $0x4000, s31;
	s1 =	sadd.s32 s1, s30  }
0xba: {  	s0 =	sor.u32 s3, s0;
	s1 =	sshll.u32 s1, $0x11  }
0xbb: {  	s0 =	sor.u32 s1, s0  }
0xbc: {  	s0 =	sadd.s32 $0x8F2B, s0  }
0xbd: {  	[sflag:s0] =	ssyncadd.remote.s32 $0x1  }
0xbe: {  	_ =	sfence.sel $0xFFFF  }
0xbf: {  	[dreg:$0x0] =	wrdreg $0xFFFFFFFF;
	(pc) =	sbr.abs _section_cstart, $3  }
0xc0: {  	[dreg:$0x1] =	wrdreg $0xFFFFFFFF  }
0xc1: {  	_ =	task.clear_ibuf [dreg:s7], $0x2FFFF;
	_ =	strace $0x9FFFFFFF  }
0xc2: {  	(tm) =	ssettm $0x7FFFFFFF  }
0xc3: {  	_ =	shalt  }
tec
execute0_lowered:
.L_overlay_start_1:
0x0: {  	(tag) =	ssettag $0x1  }
0x1: {  	s1 =	srdreg.scid  }
0x2: {  	s0 =	stileid.u32;
	s3 =	rddreg [dreg:$0x0]  }
0x3: {  	s6 =	rddreg [dreg:$0x1];
	s2 =	simm.s32 $0x0;
	s9 =	simm.s32 $0x1A00  }
0x4: {  	s10 =	simm.s32 $0x4E00;
	s11 =	simm.s32 $0x1;
	s12 =	simm.s32 $0x2  }
0x5: {  	s13 =	simm.s32 $0x6A00;
	s4 =	sand.u32 $0x1, s1;
	s31 =	sshll.u32 s0, $0x1  }
0x6: {  	s14 =	simm.s32 $0x0;
	s1 =	rddreg [dreg:$0x2];
	s7 =	sor.u32 s4, s31  }
0x7: {  	[smem:$0x7FF] =	sst s2;
	s4 =	ssub.s32 $0x2, s4;
	s5 =	smul.u32 $0x3400, s7  }
0x8: {  	_ =	strace $0x80000047;
	s8 =	sshrl.u32 s4, $0x1;
	s7 =	sshll.u32 s7, $0x6  }
0x9: {  	s8 =	ssub.s32 s4, s8;
	s6 =	sadd.s32 s6, s7;
	s5 =	sshrl.u32 s5, $0x3  }
0xa: {  	s7 =	smax.u32 s8, $0x1;
	s8 =	simm.s32 $0x3;
	s5 =	sadd.s32 s5, s3  }
0xb: {  	s3 =	sadd.s32 $0xD800, s3;
	s4 =	sadd.s32 $0x800, s5;
	s5 =	sadd.s32 $0xB40, s5  }
.LBB2_1:
0xc: {  	[tilespmem:s2], [sflag:$0x3] =	stream.linear.gather [hbm4b:s4+s2], $0x1A00, $0x38;
	[tilespmem:$0x6C00] =	vst v63  }
0xd: {  	_ =	swait.ge [sflag:s8], $0x1A00  }
0xe: {  	[sflag:s8] =	ssyncset.done $0x0  }
0xf: {  	s15 =	simm.s32 $0x3400;
	[sflag:s8] =	ssyncadd.s32 $0xFFFFE600  }
0x10: {  	[tilespmem:s15], [sflag:$0x1] =	stream.indirect.gather [hbm4b:s3+s9], $0x1, s2, s9, $0xb8;
	[tilespmem:$0x6C00] =	vst v63  }
0x11: {  	_ = 	snop  }
0x12: {  	[tilespmem:s9], [sflag:$0x3] =	stream.linear.gather [hbm4b:s5+s2], $0x1A00, $0x38;
	[tilespmem:$0x6C00] =	vst v63  }
0x13: {  	_ =	swait.ge [sflag:s8], $0x1A00  }
0x14: {  	[sflag:s8] =	ssyncset.done $0x0  }
0x15: {  	[sflag:s8] =	ssyncadd.s32 $0xFFFFE600  }
0x16: {  	[tilespmem:s10], [sflag:$0x2] =	stream.indirect.gather [hbm4b:s3+s9], $0x1, s9, s9, $0xb8;
	[tilespmem:$0x6C00] =	vst v63  }
0x17: {  	_ =	swait.ge [sflag:s11], $0x1A00  }
0x18: {  	[sflag:s11] =	ssyncset.done $0x0  }
0x19: {  	[sflag:s11] =	ssyncadd.s32 $0xFFFFE600  }
0x1a: {  	v0 =	vld [tilespmem:s15+$0x0]  }
0x1b: {  	s31 =	sand.u32 $0x1F0, s2  }
0x1c: {  	v1 =	vld [tilespmem:s31+$0x3600];
	_ =	sdelay $0x1  }
0x1d: {  	v2 =	vld [tilespmem:s31+$0x3800]  }
0x1e: {  	v0 =	vadd.f32 $0.0e+00, v0  }
0x1f: {  	v3 =	vld [tilespmem:s31+$0x3A00]  }
0x20: {  	v0 =	vadd.f32 v1, v0  }
0x21: {  	v1 =	vld [tilespmem:s31+$0x3C00]  }
0x22: {  	v0 =	vadd.f32 v2, v0  }
0x23: {  	v2 =	vld [tilespmem:s31+$0x3E00]  }
0x24: {  	v0 =	vadd.f32 v3, v0  }
0x25: {  	v3 =	vld [tilespmem:s31+$0x4000]  }
0x26: {  	v0 =	vadd.f32 v1, v0  }
0x27: {  	v1 =	vld [tilespmem:s31+$0x4200]  }
0x28: {  	v0 =	vadd.f32 v2, v0  }
0x29: {  	v2 =	vld [tilespmem:s31+$0x4400]  }
0x2a: {  	v0 =	vadd.f32 v3, v0  }
0x2b: {  	v3 =	vld [tilespmem:s31+$0x4600]  }
0x2c: {  	v0 =	vadd.f32 v1, v0  }
0x2d: {  	v1 =	vld [tilespmem:s31+$0x4800]  }
0x2e: {  	v0 =	vadd.f32 v2, v0  }
0x2f: {  	v2 =	vld [tilespmem:s31+$0x4A00]  }
0x30: {  	v0 =	vadd.f32 v3, v0  }
0x31: {  	v3 =	vld [tilespmem:s31+$0x4C00]  }
0x32: {  	v0 =	vadd.f32 v1, v0;
	_ =	sdelay $0x1  }
0x33: {  	v0 =	vadd.f32 v2, v0;
	_ =	sdelay $0x1  }
0x34: {  	v0 =	vadd.f32 v3, v0  }
0x35: {  	s15 =	simm.s32 $0x6800  }
0x36: {  	s16 =	simm.s32 $0x3410;
	[tilespmem:s15+$0x0] =	vst v0  }
0x37: {  	s17 =	simm.s32 $0x10;
	s18 =	simm.s32 $0x20;
	v0 =	vld [tilespmem:s16+$0x0]  }
.LBB2_2:
0x38: {  	p0 =	sne.s32 s18, $0x1F0;
	s19 =	sand.u32 $0x1F0, s17;
	s17 =	smov.u32 s18  }
0x39: {  	v1 =	vld [tilespmem:s19+$0x3600];
	_ =	sdelay $0x1  }
0x3a: {  	v2 =	vld [tilespmem:s19+$0x3800]  }
0x3b: {  	v0 =	vadd.f32 $0.0e+00, v0  }
0x3c: {  	v3 =	vld [tilespmem:s19+$0x3A00]  }
0x3d: {  	v0 =	vadd.f32 v1, v0  }
0x3e: {  	v1 =	vld [tilespmem:s19+$0x3C00]  }
0x3f: {  	v0 =	vadd.f32 v2, v0  }
0x40: {  	v2 =	vld [tilespmem:s19+$0x3E00]  }
0x41: {  	v0 =	vadd.f32 v3, v0  }
0x42: {  	v3 =	vld [tilespmem:s19+$0x4000]  }
0x43: {  	v0 =	vadd.f32 v1, v0  }
0x44: {  	v1 =	vld [tilespmem:s19+$0x4200]  }
0x45: {  	v0 =	vadd.f32 v2, v0  }
0x46: {  	v2 =	vld [tilespmem:s19+$0x4400]  }
0x47: {  	v0 =	vadd.f32 v3, v0  }
0x48: {  	v3 =	vld [tilespmem:s19+$0x4600]  }
0x49: {  	v0 =	vadd.f32 v1, v0  }
0x4a: {  	v1 =	vld [tilespmem:s19+$0x4800]  }
0x4b: {  	v0 =	vadd.f32 v2, v0  }
0x4c: {  	v2 =	vld [tilespmem:s19+$0x4A00]  }
0x4d: {  	v0 =	vadd.f32 v3, v0  }
0x4e: {  	v3 =	vld [tilespmem:s19+$0x4C00]  }
0x4f: {  	v0 =	vadd.f32 v1, v0;
	_ =	sdelay $0x1  }
0x50: {  	v0 =	vadd.f32 v2, v0  }
.Ltmp0:
0x51: {  	(pc) =	sbr.rel @p0 .LBB2_2-.Ltmp0, $4  }
0x52: {  	v0 =	vadd.f32 v3, v0  }
0x53: {  	s15 =	sadd.s32 $0x10, s15  }
0x54: {  	s16 =	sadd.s32 $0x10, s16;
	[tilespmem:s15+$0x0] =	vst v0  }
0x55: {  	s18 =	sadd.s32 $0x10, s18;
	v0 =	vld [tilespmem:s16+$0x0]  }
0x56: {  	s16 =	sand.u32 $0x1F0, s17  }
0x57: {  	v1 =	vld [tilespmem:s16+$0x3600];
	_ =	sdelay $0x1  }
0x58: {  	v2 =	vld [tilespmem:s16+$0x3800]  }
0x59: {  	v0 =	vadd.f32 $0.0e+00, v0  }
0x5a: {  	v3 =	vld [tilespmem:s16+$0x3A00]  }
0x5b: {  	v0 =	vadd.f32 v1, v0  }
0x5c: {  	v1 =	vld [tilespmem:s16+$0x3C00]  }
0x5d: {  	v0 =	vadd.f32 v2, v0  }
0x5e: {  	v2 =	vld [tilespmem:s16+$0x3E00]  }
0x5f: {  	v0 =	vadd.f32 v3, v0  }
0x60: {  	v3 =	vld [tilespmem:s16+$0x4000]  }
0x61: {  	v0 =	vadd.f32 v1, v0  }
0x62: {  	v1 =	vld [tilespmem:s16+$0x4200]  }
0x63: {  	v0 =	vadd.f32 v2, v0  }
0x64: {  	v2 =	vld [tilespmem:s16+$0x4400]  }
0x65: {  	v0 =	vadd.f32 v3, v0  }
0x66: {  	v3 =	vld [tilespmem:s16+$0x4600]  }
0x67: {  	v0 =	vadd.f32 v1, v0  }
0x68: {  	v1 =	vld [tilespmem:s16+$0x4800]  }
0x69: {  	v0 =	vadd.f32 v2, v0  }
0x6a: {  	v2 =	vld [tilespmem:s16+$0x4A00]  }
0x6b: {  	v0 =	vadd.f32 v3, v0  }
0x6c: {  	v3 =	vld [tilespmem:s16+$0x4C00]  }
0x6d: {  	v0 =	vadd.f32 v1, v0;
	_ =	sdelay $0x1  }
0x6e: {  	v0 =	vadd.f32 v2, v0;
	_ =	sdelay $0x1  }
0x6f: {  	v0 =	vadd.f32 v3, v0  }
0x70: {  	s15 =	sadd.s32 $0x10, s15  }
0x71: {  	[tilespmem:s15+$0x0] =	vst v0  }
0x72: {  	_ =	swait.ge [sflag:s12], $0x1A00  }
0x73: {  	[sflag:s12] =	ssyncset.done $0x0  }
0x74: {  	s29 =	simm.s32 $0x4E00;
	[sflag:s12] =	ssyncadd.s32 $0xFFFFE600  }
0x75: {  	s30 =	simm.s32 $0x6800;
	v0 =	vld [tilespmem:s29+$0x0]  }
0x76: {  	s31 =	simm.s32 $0x0;
	v1 =	vld [tilespmem:s30+$0x0]  }
0x77: {  	s15 =	sand.u32 $0x1F0, s31  }
0x78: {  	v2 =	vld [tilespmem:s15+$0x5000];
	_ =	sdelay $0x1  }
0x79: {  	v3 =	vld [tilespmem:s15+$0x5200]  }
0x7a: {  	v0 =	vadd.f32 v0, v1  }
0x7b: {  	v1 =	vld [tilespmem:s15+$0x5400]  }
0x7c: {  	v0 =	vadd.f32 v2, v0  }
0x7d: {  	v2 =	vld [tilespmem:s15+$0x5600]  }
0x7e: {  	v0 =	vadd.f32 v3, v0  }
0x7f: {  	v3 =	vld [tilespmem:s15+$0x5800]  }
0x80: {  	v0 =	vadd.f32 v1, v0  }
0x81: {  	v1 =	vld [tilespmem:s15+$0x5A00]  }
0x82: {  	v0 =	vadd.f32 v2, v0  }
0x83: {  	v2 =	vld [tilespmem:s15+$0x5C00]  }
0x84: {  	v0 =	vadd.f32 v3, v0  }
0x85: {  	v3 =	vld [tilespmem:s15+$0x5E00]  }
0x86: {  	v0 =	vadd.f32 v1, v0  }
0x87: {  	v1 =	vld [tilespmem:s15+$0x6000]  }
0x88: {  	v0 =	vadd.f32 v2, v0  }
0x89: {  	v2 =	vld [tilespmem:s15+$0x6200]  }
0x8a: {  	v0 =	vadd.f32 v3, v0  }
0x8b: {  	v3 =	vld [tilespmem:s15+$0x6400]  }
0x8c: {  	v0 =	vadd.f32 v1, v0  }
0x8d: {  	v1 =	vld [tilespmem:s15+$0x6600]  }
0x8e: {  	v0 =	vadd.f32 v2, v0;
	_ =	sdelay $0x1  }
0x8f: {  	v0 =	vadd.f32 v3, v0;
	_ =	sdelay $0x1  }
0x90: {  	v0 =	vadd.f32 v1, v0;
	_ =	sdelay $0x1  }
0x91: {  	v0 =	vsub.f32 $0.0e+00, v0;
	_ =	sdelay $0x1  }
0x92: {  	v0 =	vmul.f32 $1.442695020e+00, v0;
	_ =	sdelay $0x1  }
0x93: {  	(erf) = vpow2.f32 v0;
	_ =	sdelay $0x8  }
0x94: {  	v0 =	vpop (erf)  }
0x95: {  	v0 =	vadd.f32 $1.000000000e+00, v0;
	_ =	sdelay $0x1  }
0x96: {  	(erf) = vrcp.f32 v0;
	_ =	sdelay $0x8  }
0x97: {  	s15 =	simm.s32 $0x6A00;
	v0 =	vpop (erf)  }
0x98: {  	s16 =	simm.s32 $0x4E10;
	[tilespmem:s15+$0x0] =	vst v0  }
0x99: {  	s17 =	simm.s32 $0x6810;
	v0 =	vld [tilespmem:s16+$0x0]  }
0x9a: {  	s18 =	simm.s32 $0x10;
	s19 =	simm.s32 $0x20;
	v1 =	vld [tilespmem:s17+$0x0]  }
.LBB2_4:
0x9b: {  	p0 =	sne.s32 s19, $0x1F0;
	s20 =	sand.u32 $0x1F0, s18;
	s18 =	smov.u32 s19  }
0x9c: {  	v2 =	vld [tilespmem:s20+$0x5000];
	_ =	sdelay $0x1  }
0x9d: {  	v3 =	vld [tilespmem:s20+$0x5200]  }
0x9e: {  	v0 =	vadd.f32 v0, v1  }
0x9f: {  	v1 =	vld [tilespmem:s20+$0x5400]  }
0xa0: {  	v0 =	vadd.f32 v2, v0  }
0xa1: {  	v2 =	vld [tilespmem:s20+$0x5600]  }
0xa2: {  	v0 =	vadd.f32 v3, v0  }
0xa3: {  	v3 =	vld [tilespmem:s20+$0x5800]  }
0xa4: {  	v0 =	vadd.f32 v1, v0  }
0xa5: {  	v1 =	vld [tilespmem:s20+$0x5A00]  }
0xa6: {  	v0 =	vadd.f32 v2, v0  }
0xa7: {  	v2 =	vld [tilespmem:s20+$0x5C00]  }
0xa8: {  	v0 =	vadd.f32 v3, v0  }
0xa9: {  	v3 =	vld [tilespmem:s20+$0x5E00]  }
0xaa: {  	v0 =	vadd.f32 v1, v0  }
0xab: {  	v1 =	vld [tilespmem:s20+$0x6000]  }
0xac: {  	v0 =	vadd.f32 v2, v0  }
0xad: {  	v2 =	vld [tilespmem:s20+$0x6200]  }
0xae: {  	v0 =	vadd.f32 v3, v0  }
0xaf: {  	v3 =	vld [tilespmem:s20+$0x6400]  }
0xb0: {  	v0 =	vadd.f32 v1, v0  }
0xb1: {  	v1 =	vld [tilespmem:s20+$0x6600]  }
0xb2: {  	v0 =	vadd.f32 v2, v0;
	_ =	sdelay $0x1  }
0xb3: {  	v0 =	vadd.f32 v3, v0;
	_ =	sdelay $0x1  }
0xb4: {  	v0 =	vadd.f32 v1, v0;
	_ =	sdelay $0x1  }
0xb5: {  	v0 =	vsub.f32 $0.0e+00, v0;
	_ =	sdelay $0x1  }
0xb6: {  	v0 =	vmul.f32 $1.442695020e+00, v0;
	_ =	sdelay $0x1  }
0xb7: {  	(erf) = vpow2.f32 v0;
	_ =	sdelay $0x8  }
0xb8: {  	v0 =	vpop (erf)  }
0xb9: {  	v0 =	vadd.f32 $1.000000000e+00, v0;
	_ =	sdelay $0x1  }
0xba: {  	(erf) = vrcp.f32 v0;
	_ =	sdelay $0x7  }
.Ltmp1:
0xbb: {  	(pc) =	sbr.rel @p0 .LBB2_4-.Ltmp1, $4  }
0xbc: {  	s15 =	sadd.s32 $0x10, s15;
	v0 =	vpop (erf)  }
0xbd: {  	s16 =	sadd.s32 $0x10, s16;
	[tilespmem:s15+$0x0] =	vst v0  }
0xbe: {  	s17 =	sadd.s32 $0x10, s17;
	v0 =	vld [tilespmem:s16+$0x0]  }
0xbf: {  	s19 =	sadd.s32 $0x10, s19;
	v1 =	vld [tilespmem:s17+$0x0]  }
0xc0: {  	s16 =	sand.u32 $0x1F0, s18  }
0xc1: {  	v2 =	vld [tilespmem:s16+$0x5000];
	_ =	sdelay $0x1  }
0xc2: {  	v3 =	vld [tilespmem:s16+$0x5200]  }
0xc3: {  	v0 =	vadd.f32 v0, v1  }
0xc4: {  	v54 =	vld [tilespmem:s16+$0x5400]  }
0xc5: {  	v0 =	vadd.f32 v2, v0  }
0xc6: {  	v55 =	vld [tilespmem:s16+$0x5600]  }
0xc7: {  	v0 =	vadd.f32 v3, v0  }
0xc8: {  	v56 =	vld [tilespmem:s16+$0x5800]  }
0xc9: {  	v0 =	vadd.f32 v54, v0  }
0xca: {  	v57 =	vld [tilespmem:s16+$0x5A00]  }
0xcb: {  	v0 =	vadd.f32 v55, v0  }
0xcc: {  	v58 =	vld [tilespmem:s16+$0x5C00]  }
0xcd: {  	v0 =	vadd.f32 v56, v0  }
0xce: {  	v59 =	vld [tilespmem:s16+$0x5E00]  }
0xcf: {  	v0 =	vadd.f32 v57, v0  }
0xd0: {  	v60 =	vld [tilespmem:s16+$0x6000]  }
0xd1: {  	v0 =	vadd.f32 v58, v0  }
0xd2: {  	v61 =	vld [tilespmem:s16+$0x6200]  }
0xd3: {  	v0 =	vadd.f32 v59, v0  }
0xd4: {  	v62 =	vld [tilespmem:s16+$0x6400]  }
0xd5: {  	v0 =	vadd.f32 v60, v0  }
0xd6: {  	v63 =	vld [tilespmem:s16+$0x6600]  }
0xd7: {  	v0 =	vadd.f32 v61, v0;
	_ =	sdelay $0x1  }
0xd8: {  	v0 =	vadd.f32 v62, v0;
	_ =	sdelay $0x1  }
0xd9: {  	v0 =	vadd.f32 v63, v0;
	_ =	sdelay $0x1  }
0xda: {  	v0 =	vsub.f32 $0.0e+00, v0;
	_ =	sdelay $0x1  }
0xdb: {  	v0 =	vmul.f32 $1.442695020e+00, v0;
	_ =	sdelay $0x1  }
0xdc: {  	(erf) = vpow2.f32 v0;
	_ =	sdelay $0x8  }
0xdd: {  	v0 =	vpop (erf)  }
0xde: {  	v0 =	vadd.f32 $1.000000000e+00, v0;
	_ =	sdelay $0x1  }
0xdf: {  	(erf) = vrcp.f32 v0;
	_ =	sdelay $0x7  }
0xe0: {  	s14 =	sadd.s32 $0x1, s14  }
0xe1: {  	s15 =	sadd.s32 $0x10, s15;
	p0 =	sne.s32 s14, s7;
	v0 =	vpop (erf)  }
.Ltmp2:
0xe2: {  	[tilespmem:s15+$0x0] =	vst v0;
	(pc) =	sbr.rel @p0 .LBB2_1-.Ltmp2, $4  }
0xe3: {  	[hbm4b:s6+s2] =	stream.linear.scatter [tilespmem:s13], [sflag:$0x3], $0x200, $0x38;
	[tilespmem:$0x6C00] =	vst v63  }
0xe4: {  	_ =	swait.ge [sflag:s8], $0x200  }
0xe5: {  	[sflag:s8] =	ssyncset.done $0x0  }
0xe6: {  	[sflag:s8] =	ssyncadd.s32 $0xFFFFFE00  }
0xe7: {  	_ =	sfence.sel $0x180000  }
0xe8: {  	[bflag:$0x0] =	sbarrier.arrive $0xFFFF  }
0xe9: {  	p0 =	sne.s32 s0, $0x0;
	_ =	strace $0x90000047  }
0xea: {  	s0 =	sadd.s32 @!p0 $0x100000, s1;
	[bflag:$0x2] =	sbarrier.arrive $0xFFFF  }
0xeb: {  	[sflag:s0] =	ssyncadd.tile.s32 @!p0 $0x1;
	_ =	shalt  }
.Lfunc_end2:
_tile_overlayer_lowered:
.L_overlay_start_2:
0xec: {  	(tag) =	ssettag $0x2  }
0xed: {  	s0 =	rddreg [dreg:$0x0];
	s2 =	stileid.u32  }
0xee: {  	s1 =	rddreg [dreg:$0x1];
	p0 =	sne.s32 s2, $0x0  }
0xef: {  	s3 =	rddreg [dreg:$0x2];
	[bflag:$0x3] =	sbarrier.arrive $0xFFFF;
	s2 =	simm.s32 @!p0 $0x1C03  }
0xf0: {  	[timem:s3], [sflag:s2] =	dma.local @!p0 [hbm:s0], s1  }
0xf1: {  	s0 =	simm.s32 @!p0 $0x3  }
0xf2: {  	_ =	swait.ge @!p0 [sflag:s0], s1  }
0xf3: {  	s1 =	ssub.s32 @!p0 $0x0, s1;
	[sflag:s0] =	ssyncset.done @!p0 $0x0  }
0xf4: {  	[sflag:s0] =	ssyncadd.s32 @!p0 s1  }
0xf5: {  	[bflag:$0x3] =	sbarrier.arrive $0xFFFF  }
0xf6: {  	_ =	shalt  }

</sc_bundles>
